<compile_context>
chip_gen: v7x
topology: tpu7x:2x2x1
jax: 0.10.2.dev20260603
libtpu: 0.0.44.dev20260713+nightly
codegen_flags: <defaults>
</compile_context>

<pallas_src>
import functools

import jax
import jax.numpy as jnp
from jax import lax
from jax.experimental import pallas as pl
from jax.experimental.pallas import tpu as pltpu
from jax.experimental.pallas import tpu_sc as plsc

_CHUNK = 64


def _make_emb_kernel(n_rows, vocab, d, t):
    info = plsc.get_sparse_core_info()
    nc, ns, nl = info.num_cores, info.num_subcores, info.num_lanes
    nw = nc * ns
    rows_w = n_rows // nw
    n_chunks = rows_w // _CHUNK
    workers_per_seq = t // rows_w
    mesh = plsc.VectorSubcoreMesh(core_axis_name="c", subcore_axis_name="s")

    @functools.partial(
        pl.kernel,
        mesh=mesh,
        out_type=jax.ShapeDtypeStruct((n_rows, d), jnp.float32),
        scratch_types=[
            pltpu.VMEM((n_chunks, _CHUNK), jnp.int32),
            pltpu.VMEM((rows_w, d), jnp.float32),
            pltpu.VMEM((rows_w, d), jnp.float32),
            pltpu.SemaphoreType.DMA,
            pltpu.SemaphoreType.DMA,
            pltpu.SemaphoreType.DMA,
        ],
    )
    def emb(x_hbm, tok_hbm, pos_hbm, out_hbm, idx_v, rows_v, pos_v,
            sem_g, sem_p, sem_o):
        wid = lax.axis_index("s") * nc + lax.axis_index("c")
        base = wid * rows_w
        t0 = lax.rem(wid, workers_per_seq) * rows_w
        cp_pos = pltpu.async_copy(pos_hbm.at[pl.ds(t0, rows_w)], pos_v, sem_p)
        pltpu.sync_copy(x_hbm.at[pl.ds(wid * n_chunks, n_chunks)], idx_v)
        gathers = [
            pltpu.async_copy(
                tok_hbm.at[idx_v.at[j]],
                rows_v.at[pl.ds(j * _CHUNK, _CHUNK)],
                sem_g,
            )
            for j in range(n_chunks)
        ]
        cp_pos.wait()

        outs = []
        for j in range(n_chunks):
            gathers[j].wait()
            lo = j * _CHUNK

            outs.append(
                pltpu.async_copy(
                    rows_v.at[pl.ds(lo, _CHUNK)],
                    out_hbm.at[pl.ds(base + lo, _CHUNK)],
                    sem_o,
                )
            )
        for cp in outs:
            cp.wait()

    return emb


def kernel(x, token_emb, pos_embd):
    b, t = x.shape
    vocab, d = token_emb.shape
    n_rows = b * t
    xf = x.reshape(n_rows // _CHUNK, _CHUNK).astype(jnp.int32)
    emb = _make_emb_kernel(n_rows, vocab, d, t)
    out = emb(xf, token_emb, pos_embd)
    return out.reshape(b, t, d)

# --- scband reference (transcript-rebuilt; emitter-appended) ---
"""Pipeline reference for scband-positional-embedding-5987184410837 (READ-ONLY COPY).

The authoritative reference and input builder live on the scoring server;
editing this copy changes nothing except your own understanding.
"""

import jax, jax.numpy as jnp
import numpy as np

VOCAB_SIZE = 100000
EMBD_DIM = 128
BLOCK_SIZE = 2048
BATCH = 4
SEQ = 2048


def setup_inputs(seed: int = 0) -> dict:
    key = jax.random.key(seed)
    k1, k2, k3 = jax.random.split(key, 3)
    x = jax.random.randint(k1, (BATCH, SEQ), 0, VOCAB_SIZE, dtype=jnp.int64 if jax.config.jax_enable_x64 else jnp.int32)
    token_emb = jax.random.normal(k2, (VOCAB_SIZE, EMBD_DIM), dtype=jnp.float32) * 0.02
    pos_embd = jax.random.normal(k3, (BLOCK_SIZE, EMBD_DIM), dtype=jnp.float32) * 0.02
    return {"x": x, "token_emb": token_emb, "pos_embd": pos_embd}


def reference(x, token_emb, pos_embd):
    b, t = x.shape
    pos = jnp.arange(t)
    pos_e = jnp.take(pos_embd, pos, axis=0)          # [t, d]
    tok_e = jnp.take(token_emb, x, axis=0)           # [b, t, d]
    return tok_e + pos_e[None, :, :]

if __name__ == "__main__":
    import jax
    _d = setup_inputs()
    print(jax.jit(kernel)(*tuple(_d.values())))

</pallas_src>

<mosaic_0001>
#map = affine_map<(d0, d1) -> (0, 0)>
module attributes {stable_mosaic.version = 14 : i64} {
  func.func @emb(%arg0: i32, %arg1: i32, %arg2: memref<128x64xi32, #tpu.memory_space<hbm>>, %arg3: memref<100000x128xf32, #tpu.memory_space<hbm>>, %arg4: memref<2048x128xf32, #tpu.memory_space<hbm>>, %arg5: memref<8192x128xf32, #tpu.memory_space<hbm>>, %arg6: memref<4x64xi32, #tpu.memory_space<vmem>>, %arg7: memref<256x128xf32, #tpu.memory_space<vmem>>, %arg8: memref<256x128xf32, #tpu.memory_space<vmem>>, %arg9: memref<!tpu.dma_semaphore, #tpu.memory_space<semaphore_mem>>, %arg10: memref<!tpu.dma_semaphore, #tpu.memory_space<semaphore_mem>>, %arg11: memref<!tpu.dma_semaphore, #tpu.memory_space<semaphore_mem>>) attributes {dimension_semantics = [#tpu.dimension_semantics<core_parallel>, #tpu.dimension_semantics<subcore_parallel>], iteration_bounds = array<i64: 2, 16>, scalar_prefetch = 0 : i64, scratch_operands = 6 : i64, tpu.core_type = #tpu.core_type<sc_vector_subcore>, window_params = [{transform_indices = #map}, {transform_indices = #map}, {transform_indices = #map}, {transform_indices = #map}]} {
    %mul3A = arith.constant 2 : i32
    %mul3A_0 = arith.muli %arg1, %mul3A : i32
    %add3A = arith.addi %mul3A_0, %arg0 : i32
    %mul3A_1 = arith.constant 256 : i32
    %mul3A_2 = arith.muli %add3A, %mul3A_1 : i32
    %rem3A = arith.constant 8 : i32
    %rem3A_3 = arith.remsi %add3A, %rem3A : i32
    %mul3A_4 = arith.constant 256 : i32
    %mul3A_5 = arith.muli %rem3A_3, %mul3A_4 : i32
    %dma_start3A = arith.constant 0 : i32
    %dma_start3A_6 = tpu.memref_slice %arg4[%mul3A_5, %dma_start3A] : memref<2048x128xf32, #tpu.memory_space<hbm>> -> memref<256x128xf32, #tpu.memory_space<hbm>>
    %dma_start3A_7 = arith.constant 0 : i32
    %dma_start3A_8 = tpu.memref_slice %arg4[%mul3A_5, %dma_start3A_7] : memref<2048x128xf32, #tpu.memory_space<hbm>> -> memref<256x128xf32, #tpu.memory_space<hbm>>
    tpu.enqueue_dma source(%dma_start3A_8 : memref<256x128xf32, #tpu.memory_space<hbm>>) target(%arg8 : memref<256x128xf32, #tpu.memory_space<vmem>>) target_semaphore(%arg10 : memref<!tpu.dma_semaphore, #tpu.memory_space<semaphore_mem>>)
    %mul3A_9 = arith.constant 4 : i32
    %mul3A_10 = arith.muli %add3A, %mul3A_9 : i32
    "tpu.region"() ({
      %run_scoped3A = tpu.sem_alloc : memref<!tpu.dma_semaphore, #tpu.memory_space<semaphore_mem>>
      %dma_start3A_182 = arith.constant 0 : i32
      %dma_start3A_183 = tpu.memref_slice %arg2[%mul3A_10, %dma_start3A_182] : memref<128x64xi32, #tpu.memory_space<hbm>> -> memref<4x64xi32, #tpu.memory_space<hbm>>
      %dma_start3A_184 = arith.constant 0 : i32
      %dma_start3A_185 = tpu.memref_slice %arg2[%mul3A_10, %dma_start3A_184] : memref<128x64xi32, #tpu.memory_space<hbm>> -> memref<4x64xi32, #tpu.memory_space<hbm>>
      tpu.enqueue_dma source(%dma_start3A_185 : memref<4x64xi32, #tpu.memory_space<hbm>>) target(%arg6 : memref<4x64xi32, #tpu.memory_space<vmem>>) target_semaphore(%run_scoped3A : memref<!tpu.dma_semaphore, #tpu.memory_space<semaphore_mem>>)
      %dma_wait3A_186 = arith.constant 0 : i32
      %dma_wait3A_187 = tpu.memref_slice %arg2[%mul3A_10, %dma_wait3A_186] : memref<128x64xi32, #tpu.memory_space<hbm>> -> memref<4x64xi32, #tpu.memory_space<hbm>>
      %dma_wait3A_188 = arith.constant 0 : i32
      %dma_wait3A_189 = tpu.memref_slice %arg2[%mul3A_10, %dma_wait3A_188] : memref<128x64xi32, #tpu.memory_space<hbm>> -> memref<4x64xi32, #tpu.memory_space<hbm>>
      tpu.wait_dma2 semaphore(%run_scoped3A : memref<!tpu.dma_semaphore, #tpu.memory_space<semaphore_mem>>) src(%dma_wait3A_189 : memref<4x64xi32, #tpu.memory_space<hbm>>) dst(%arg6 : memref<4x64xi32, #tpu.memory_space<vmem>>)
      tpu.yield
    }) : () -> ()
    %dma_start3A_11 = arith.constant 0 : i32
    %dma_start3A_12 = arith.constant 0 : i32
    %dma_start3A_13 = arith.constant 0 : i32
    %dma_start3A_14 = tpu.memref_slice %arg7[%dma_start3A_12, %dma_start3A_13] : memref<256x128xf32, #tpu.memory_space<vmem>> -> memref<64x128xf32, #tpu.memory_space<vmem>>
    %dma_start3A_15 = arith.constant 0 : i32
    %dma_start3A_16 = tpu.memref_slice %arg6[%dma_start3A_11, %dma_start3A_15] : memref<4x64xi32, #tpu.memory_space<vmem>> -> memref<1x64xi32, #tpu.memory_space<vmem>>
    %dma_start3A_17 = tpu.memref_squeeze %dma_start3A_16 : memref<1x64xi32, #tpu.memory_space<vmem>> -> memref<64xi32, #tpu.memory_space<vmem>>
    %dma_start3A_18 = arith.constant 0 : i32
    %dma_start3A_19 = arith.constant 0 : i32
    %dma_start3A_20 = tpu.memref_slice %arg3[%dma_start3A_18, %dma_start3A_19] : memref<100000x128xf32, #tpu.memory_space<hbm>> -> memref<100000x128xf32, #tpu.memory_space<hbm>>
    tpu.enqueue_indirect_dma source(%dma_start3A_20 : memref<100000x128xf32, #tpu.memory_space<hbm>>) target(%dma_start3A_14 : memref<64x128xf32, #tpu.memory_space<vmem>>) offsets(%dma_start3A_17 : memref<64xi32, #tpu.memory_space<vmem>>) semaphore(%arg9 : memref<!tpu.dma_semaphore, #tpu.memory_space<semaphore_mem>>)
    %dma_start3A_21 = arith.constant 1 : i32
    %dma_start3A_22 = arith.constant 64 : i32
    %dma_start3A_23 = arith.constant 0 : i32
    %dma_start3A_24 = tpu.memref_slice %arg7[%dma_start3A_22, %dma_start3A_23] : memref<256x128xf32, #tpu.memory_space<vmem>> -> memref<64x128xf32, #tpu.memory_space<vmem>>
    %dma_start3A_25 = arith.constant 0 : i32
    %dma_start3A_26 = tpu.memref_slice %arg6[%dma_start3A_21, %dma_start3A_25] : memref<4x64xi32, #tpu.memory_space<vmem>> -> memref<1x64xi32, #tpu.memory_space<vmem>>
    %dma_start3A_27 = tpu.memref_squeeze %dma_start3A_26 : memref<1x64xi32, #tpu.memory_space<vmem>> -> memref<64xi32, #tpu.memory_space<vmem>>
    %dma_start3A_28 = arith.constant 0 : i32
    %dma_start3A_29 = arith.constant 0 : i32
    %dma_start3A_30 = tpu.memref_slice %arg3[%dma_start3A_28, %dma_start3A_29] : memref<100000x128xf32, #tpu.memory_space<hbm>> -> memref<100000x128xf32, #tpu.memory_space<hbm>>
    tpu.enqueue_indirect_dma source(%dma_start3A_30 : memref<100000x128xf32, #tpu.memory_space<hbm>>) target(%dma_start3A_24 : memref<64x128xf32, #tpu.memory_space<vmem>>) offsets(%dma_start3A_27 : memref<64xi32, #tpu.memory_space<vmem>>) semaphore(%arg9 : memref<!tpu.dma_semaphore, #tpu.memory_space<semaphore_mem>>)
    %dma_start3A_31 = arith.constant 2 : i32
    %dma_start3A_32 = arith.constant 128 : i32
    %dma_start3A_33 = arith.constant 0 : i32
    %dma_start3A_34 = tpu.memref_slice %arg7[%dma_start3A_32, %dma_start3A_33] : memref<256x128xf32, #tpu.memory_space<vmem>> -> memref<64x128xf32, #tpu.memory_space<vmem>>
    %dma_start3A_35 = arith.constant 0 : i32
    %dma_start3A_36 = tpu.memref_slice %arg6[%dma_start3A_31, %dma_start3A_35] : memref<4x64xi32, #tpu.memory_space<vmem>> -> memref<1x64xi32, #tpu.memory_space<vmem>>
    %dma_start3A_37 = tpu.memref_squeeze %dma_start3A_36 : memref<1x64xi32, #tpu.memory_space<vmem>> -> memref<64xi32, #tpu.memory_space<vmem>>
    %dma_start3A_38 = arith.constant 0 : i32
    %dma_start3A_39 = arith.constant 0 : i32
    %dma_start3A_40 = tpu.memref_slice %arg3[%dma_start3A_38, %dma_start3A_39] : memref<100000x128xf32, #tpu.memory_space<hbm>> -> memref<100000x128xf32, #tpu.memory_space<hbm>>
    tpu.enqueue_indirect_dma source(%dma_start3A_40 : memref<100000x128xf32, #tpu.memory_space<hbm>>) target(%dma_start3A_34 : memref<64x128xf32, #tpu.memory_space<vmem>>) offsets(%dma_start3A_37 : memref<64xi32, #tpu.memory_space<vmem>>) semaphore(%arg9 : memref<!tpu.dma_semaphore, #tpu.memory_space<semaphore_mem>>)
    %dma_start3A_41 = arith.constant 3 : i32
    %dma_start3A_42 = arith.constant 192 : i32
    %dma_start3A_43 = arith.constant 0 : i32
    %dma_start3A_44 = tpu.memref_slice %arg7[%dma_start3A_42, %dma_start3A_43] : memref<256x128xf32, #tpu.memory_space<vmem>> -> memref<64x128xf32, #tpu.memory_space<vmem>>
    %dma_start3A_45 = arith.constant 0 : i32
    %dma_start3A_46 = tpu.memref_slice %arg6[%dma_start3A_41, %dma_start3A_45] : memref<4x64xi32, #tpu.memory_space<vmem>> -> memref<1x64xi32, #tpu.memory_space<vmem>>
    %dma_start3A_47 = tpu.memref_squeeze %dma_start3A_46 : memref<1x64xi32, #tpu.memory_space<vmem>> -> memref<64xi32, #tpu.memory_space<vmem>>
    %dma_start3A_48 = arith.constant 0 : i32
    %dma_start3A_49 = arith.constant 0 : i32
    %dma_start3A_50 = tpu.memref_slice %arg3[%dma_start3A_48, %dma_start3A_49] : memref<100000x128xf32, #tpu.memory_space<hbm>> -> memref<100000x128xf32, #tpu.memory_space<hbm>>
    tpu.enqueue_indirect_dma source(%dma_start3A_50 : memref<100000x128xf32, #tpu.memory_space<hbm>>) target(%dma_start3A_44 : memref<64x128xf32, #tpu.memory_space<vmem>>) offsets(%dma_start3A_47 : memref<64xi32, #tpu.memory_space<vmem>>) semaphore(%arg9 : memref<!tpu.dma_semaphore, #tpu.memory_space<semaphore_mem>>)
    %dma_wait3A = arith.constant 0 : i32
    %dma_wait3A_51 = tpu.memref_slice %arg4[%mul3A_5, %dma_wait3A] : memref<2048x128xf32, #tpu.memory_space<hbm>> -> memref<256x128xf32, #tpu.memory_space<hbm>>
    %dma_wait3A_52 = arith.constant 0 : i32
    %dma_wait3A_53 = tpu.memref_slice %arg4[%mul3A_5, %dma_wait3A_52] : memref<2048x128xf32, #tpu.memory_space<hbm>> -> memref<256x128xf32, #tpu.memory_space<hbm>>
    tpu.wait_dma2 semaphore(%arg10 : memref<!tpu.dma_semaphore, #tpu.memory_space<semaphore_mem>>) src(%dma_wait3A_53 : memref<256x128xf32, #tpu.memory_space<hbm>>) dst(%arg8 : memref<256x128xf32, #tpu.memory_space<vmem>>)
    %dma_wait3A_54 = arith.constant 0 : i32
    %dma_wait3A_55 = arith.constant 0 : i32
    %dma_wait3A_56 = arith.constant 0 : i32
    %dma_wait3A_57 = tpu.memref_slice %arg7[%dma_wait3A_55, %dma_wait3A_56] : memref<256x128xf32, #tpu.memory_space<vmem>> -> memref<64x128xf32, #tpu.memory_space<vmem>>
    %dma_wait3A_58 = arith.constant 0 : i32
    %dma_wait3A_59 = tpu.memref_slice %arg6[%dma_wait3A_54, %dma_wait3A_58] : memref<4x64xi32, #tpu.memory_space<vmem>> -> memref<1x64xi32, #tpu.memory_space<vmem>>
    %dma_wait3A_60 = tpu.memref_squeeze %dma_wait3A_59 : memref<1x64xi32, #tpu.memory_space<vmem>> -> memref<64xi32, #tpu.memory_space<vmem>>
    %dma_wait3A_61 = arith.constant 0 : i32
    %dma_wait3A_62 = arith.constant 0 : i32
    %dma_wait3A_63 = tpu.memref_slice %arg3[%dma_wait3A_61, %dma_wait3A_62] : memref<100000x128xf32, #tpu.memory_space<hbm>> -> memref<100000x128xf32, #tpu.memory_space<hbm>>
    tpu.wait_indirect_dma semaphore(%arg9 : memref<!tpu.dma_semaphore, #tpu.memory_space<semaphore_mem>>) src(%dma_wait3A_63 : memref<100000x128xf32, #tpu.memory_space<hbm>>) dst(%dma_wait3A_57 : memref<64x128xf32, #tpu.memory_space<vmem>>)
    %add3A_64 = arith.constant 0 : i32
    %add3A_65 = arith.addi %mul3A_2, %add3A_64 : i32
    %dma_start3A_66 = arith.constant 0 : i32
    %dma_start3A_67 = arith.constant 0 : i32
    %dma_start3A_68 = tpu.memref_slice %arg7[%dma_start3A_66, %dma_start3A_67] : memref<256x128xf32, #tpu.memory_space<vmem>> -> memref<64x128xf32, #tpu.memory_space<vmem>>
    %dma_start3A_69 = arith.constant 0 : i32
    %dma_start3A_70 = tpu.memref_slice %arg5[%add3A_65, %dma_start3A_69] : memref<8192x128xf32, #tpu.memory_space<hbm>> -> memref<64x128xf32, #tpu.memory_space<hbm>>
    %dma_start3A_71 = arith.constant 0 : i32
    %dma_start3A_72 = tpu.memref_slice %arg5[%add3A_65, %dma_start3A_71] : memref<8192x128xf32, #tpu.memory_space<hbm>> -> memref<64x128xf32, #tpu.memory_space<hbm>>
    %dma_start3A_73 = arith.constant 0 : i32
    %dma_start3A_74 = arith.constant 0 : i32
    %dma_start3A_75 = tpu.memref_slice %arg7[%dma_start3A_73, %dma_start3A_74] : memref<256x128xf32, #tpu.memory_space<vmem>> -> memref<64x128xf32, #tpu.memory_space<vmem>>
    tpu.enqueue_dma source(%dma_start3A_75 : memref<64x128xf32, #tpu.memory_space<vmem>>) target(%dma_start3A_72 : memref<64x128xf32, #tpu.memory_space<hbm>>) target_semaphore(%arg11 : memref<!tpu.dma_semaphore, #tpu.memory_space<semaphore_mem>>)
    %dma_wait3A_76 = arith.constant 1 : i32
    %dma_wait3A_77 = arith.constant 64 : i32
    %dma_wait3A_78 = arith.constant 0 : i32
    %dma_wait3A_79 = tpu.memref_slice %arg7[%dma_wait3A_77, %dma_wait3A_78] : memref<256x128xf32, #tpu.memory_space<vmem>> -> memref<64x128xf32, #tpu.memory_space<vmem>>
    %dma_wait3A_80 = arith.constant 0 : i32
    %dma_wait3A_81 = tpu.memref_slice %arg6[%dma_wait3A_76, %dma_wait3A_80] : memref<4x64xi32, #tpu.memory_space<vmem>> -> memref<1x64xi32, #tpu.memory_space<vmem>>
    %dma_wait3A_82 = tpu.memref_squeeze %dma_wait3A_81 : memref<1x64xi32, #tpu.memory_space<vmem>> -> memref<64xi32, #tpu.memory_space<vmem>>
    %dma_wait3A_83 = arith.constant 0 : i32
    %dma_wait3A_84 = arith.constant 0 : i32
    %dma_wait3A_85 = tpu.memref_slice %arg3[%dma_wait3A_83, %dma_wait3A_84] : memref<100000x128xf32, #tpu.memory_space<hbm>> -> memref<100000x128xf32, #tpu.memory_space<hbm>>
    tpu.wait_indirect_dma semaphore(%arg9 : memref<!tpu.dma_semaphore, #tpu.memory_space<semaphore_mem>>) src(%dma_wait3A_85 : memref<100000x128xf32, #tpu.memory_space<hbm>>) dst(%dma_wait3A_79 : memref<64x128xf32, #tpu.memory_space<vmem>>)
    %add3A_86 = arith.constant 64 : i32
    %add3A_87 = arith.addi %mul3A_2, %add3A_86 : i32
    %dma_start3A_88 = arith.constant 64 : i32
    %dma_start3A_89 = arith.constant 0 : i32
    %dma_start3A_90 = tpu.memref_slice %arg7[%dma_start3A_88, %dma_start3A_89] : memref<256x128xf32, #tpu.memory_space<vmem>> -> memref<64x128xf32, #tpu.memory_space<vmem>>
    %dma_start3A_91 = arith.constant 0 : i32
    %dma_start3A_92 = tpu.memref_slice %arg5[%add3A_87, %dma_start3A_91] : memref<8192x128xf32, #tpu.memory_space<hbm>> -> memref<64x128xf32, #tpu.memory_space<hbm>>
    %dma_start3A_93 = arith.constant 0 : i32
    %dma_start3A_94 = tpu.memref_slice %arg5[%add3A_87, %dma_start3A_93] : memref<8192x128xf32, #tpu.memory_space<hbm>> -> memref<64x128xf32, #tpu.memory_space<hbm>>
    %dma_start3A_95 = arith.constant 64 : i32
    %dma_start3A_96 = arith.constant 0 : i32
    %dma_start3A_97 = tpu.memref_slice %arg7[%dma_start3A_95, %dma_start3A_96] : memref<256x128xf32, #tpu.memory_space<vmem>> -> memref<64x128xf32, #tpu.memory_space<vmem>>
    tpu.enqueue_dma source(%dma_start3A_97 : memref<64x128xf32, #tpu.memory_space<vmem>>) target(%dma_start3A_94 : memref<64x128xf32, #tpu.memory_space<hbm>>) target_semaphore(%arg11 : memref<!tpu.dma_semaphore, #tpu.memory_space<semaphore_mem>>)
    %dma_wait3A_98 = arith.constant 2 : i32
    %dma_wait3A_99 = arith.constant 128 : i32
    %dma_wait3A_100 = arith.constant 0 : i32
    %dma_wait3A_101 = tpu.memref_slice %arg7[%dma_wait3A_99, %dma_wait3A_100] : memref<256x128xf32, #tpu.memory_space<vmem>> -> memref<64x128xf32, #tpu.memory_space<vmem>>
    %dma_wait3A_102 = arith.constant 0 : i32
    %dma_wait3A_103 = tpu.memref_slice %arg6[%dma_wait3A_98, %dma_wait3A_102] : memref<4x64xi32, #tpu.memory_space<vmem>> -> memref<1x64xi32, #tpu.memory_space<vmem>>
    %dma_wait3A_104 = tpu.memref_squeeze %dma_wait3A_103 : memref<1x64xi32, #tpu.memory_space<vmem>> -> memref<64xi32, #tpu.memory_space<vmem>>
    %dma_wait3A_105 = arith.constant 0 : i32
    %dma_wait3A_106 = arith.constant 0 : i32
    %dma_wait3A_107 = tpu.memref_slice %arg3[%dma_wait3A_105, %dma_wait3A_106] : memref<100000x128xf32, #tpu.memory_space<hbm>> -> memref<100000x128xf32, #tpu.memory_space<hbm>>
    tpu.wait_indirect_dma semaphore(%arg9 : memref<!tpu.dma_semaphore, #tpu.memory_space<semaphore_mem>>) src(%dma_wait3A_107 : memref<100000x128xf32, #tpu.memory_space<hbm>>) dst(%dma_wait3A_101 : memref<64x128xf32, #tpu.memory_space<vmem>>)
    %add3A_108 = arith.constant 128 : i32
    %add3A_109 = arith.addi %mul3A_2, %add3A_108 : i32
    %dma_start3A_110 = arith.constant 128 : i32
    %dma_start3A_111 = arith.constant 0 : i32
    %dma_start3A_112 = tpu.memref_slice %arg7[%dma_start3A_110, %dma_start3A_111] : memref<256x128xf32, #tpu.memory_space<vmem>> -> memref<64x128xf32, #tpu.memory_space<vmem>>
    %dma_start3A_113 = arith.constant 0 : i32
    %dma_start3A_114 = tpu.memref_slice %arg5[%add3A_109, %dma_start3A_113] : memref<8192x128xf32, #tpu.memory_space<hbm>> -> memref<64x128xf32, #tpu.memory_space<hbm>>
    %dma_start3A_115 = arith.constant 0 : i32
    %dma_start3A_116 = tpu.memref_slice %arg5[%add3A_109, %dma_start3A_115] : memref<8192x128xf32, #tpu.memory_space<hbm>> -> memref<64x128xf32, #tpu.memory_space<hbm>>
    %dma_start3A_117 = arith.constant 128 : i32
    %dma_start3A_118 = arith.constant 0 : i32
    %dma_start3A_119 = tpu.memref_slice %arg7[%dma_start3A_117, %dma_start3A_118] : memref<256x128xf32, #tpu.memory_space<vmem>> -> memref<64x128xf32, #tpu.memory_space<vmem>>
    tpu.enqueue_dma source(%dma_start3A_119 : memref<64x128xf32, #tpu.memory_space<vmem>>) target(%dma_start3A_116 : memref<64x128xf32, #tpu.memory_space<hbm>>) target_semaphore(%arg11 : memref<!tpu.dma_semaphore, #tpu.memory_space<semaphore_mem>>)
    %dma_wait3A_120 = arith.constant 3 : i32
    %dma_wait3A_121 = arith.constant 192 : i32
    %dma_wait3A_122 = arith.constant 0 : i32
    %dma_wait3A_123 = tpu.memref_slice %arg7[%dma_wait3A_121, %dma_wait3A_122] : memref<256x128xf32, #tpu.memory_space<vmem>> -> memref<64x128xf32, #tpu.memory_space<vmem>>
    %dma_wait3A_124 = arith.constant 0 : i32
    %dma_wait3A_125 = tpu.memref_slice %arg6[%dma_wait3A_120, %dma_wait3A_124] : memref<4x64xi32, #tpu.memory_space<vmem>> -> memref<1x64xi32, #tpu.memory_space<vmem>>
    %dma_wait3A_126 = tpu.memref_squeeze %dma_wait3A_125 : memref<1x64xi32, #tpu.memory_space<vmem>> -> memref<64xi32, #tpu.memory_space<vmem>>
    %dma_wait3A_127 = arith.constant 0 : i32
    %dma_wait3A_128 = arith.constant 0 : i32
    %dma_wait3A_129 = tpu.memref_slice %arg3[%dma_wait3A_127, %dma_wait3A_128] : memref<100000x128xf32, #tpu.memory_space<hbm>> -> memref<100000x128xf32, #tpu.memory_space<hbm>>
    tpu.wait_indirect_dma semaphore(%arg9 : memref<!tpu.dma_semaphore, #tpu.memory_space<semaphore_mem>>) src(%dma_wait3A_129 : memref<100000x128xf32, #tpu.memory_space<hbm>>) dst(%dma_wait3A_123 : memref<64x128xf32, #tpu.memory_space<vmem>>)
    %add3A_130 = arith.constant 192 : i32
    %add3A_131 = arith.addi %mul3A_2, %add3A_130 : i32
    %dma_start3A_132 = arith.constant 192 : i32
    %dma_start3A_133 = arith.constant 0 : i32
    %dma_start3A_134 = tpu.memref_slice %arg7[%dma_start3A_132, %dma_start3A_133] : memref<256x128xf32, #tpu.memory_space<vmem>> -> memref<64x128xf32, #tpu.memory_space<vmem>>
    %dma_start3A_135 = arith.constant 0 : i32
    %dma_start3A_136 = tpu.memref_slice %arg5[%add3A_131, %dma_start3A_135] : memref<8192x128xf32, #tpu.memory_space<hbm>> -> memref<64x128xf32, #tpu.memory_space<hbm>>
    %dma_start3A_137 = arith.constant 0 : i32
    %dma_start3A_138 = tpu.memref_slice %arg5[%add3A_131, %dma_start3A_137] : memref<8192x128xf32, #tpu.memory_space<hbm>> -> memref<64x128xf32, #tpu.memory_space<hbm>>
    %dma_start3A_139 = arith.constant 192 : i32
    %dma_start3A_140 = arith.constant 0 : i32
    %dma_start3A_141 = tpu.memref_slice %arg7[%dma_start3A_139, %dma_start3A_140] : memref<256x128xf32, #tpu.memory_space<vmem>> -> memref<64x128xf32, #tpu.memory_space<vmem>>
    tpu.enqueue_dma source(%dma_start3A_141 : memref<64x128xf32, #tpu.memory_space<vmem>>) target(%dma_start3A_138 : memref<64x128xf32, #tpu.memory_space<hbm>>) target_semaphore(%arg11 : memref<!tpu.dma_semaphore, #tpu.memory_space<semaphore_mem>>)
    %dma_wait3A_142 = arith.constant 0 : i32
    %dma_wait3A_143 = arith.constant 0 : i32
    %dma_wait3A_144 = tpu.memref_slice %arg7[%dma_wait3A_142, %dma_wait3A_143] : memref<256x128xf32, #tpu.memory_space<vmem>> -> memref<64x128xf32, #tpu.memory_space<vmem>>
    %dma_wait3A_145 = arith.constant 0 : i32
    %dma_wait3A_146 = tpu.memref_slice %arg5[%add3A_65, %dma_wait3A_145] : memref<8192x128xf32, #tpu.memory_space<hbm>> -> memref<64x128xf32, #tpu.memory_space<hbm>>
    %dma_wait3A_147 = arith.constant 0 : i32
    %dma_wait3A_148 = tpu.memref_slice %arg5[%add3A_65, %dma_wait3A_147] : memref<8192x128xf32, #tpu.memory_space<hbm>> -> memref<64x128xf32, #tpu.memory_space<hbm>>
    %dma_wait3A_149 = arith.constant 0 : i32
    %dma_wait3A_150 = arith.constant 0 : i32
    %dma_wait3A_151 = tpu.memref_slice %arg7[%dma_wait3A_149, %dma_wait3A_150] : memref<256x128xf32, #tpu.memory_space<vmem>> -> memref<64x128xf32, #tpu.memory_space<vmem>>
    tpu.wait_dma2 semaphore(%arg11 : memref<!tpu.dma_semaphore, #tpu.memory_space<semaphore_mem>>) src(%dma_wait3A_151 : memref<64x128xf32, #tpu.memory_space<vmem>>) dst(%dma_wait3A_148 : memref<64x128xf32, #tpu.memory_space<hbm>>)
    %dma_wait3A_152 = arith.constant 64 : i32
    %dma_wait3A_153 = arith.constant 0 : i32
    %dma_wait3A_154 = tpu.memref_slice %arg7[%dma_wait3A_152, %dma_wait3A_153] : memref<256x128xf32, #tpu.memory_space<vmem>> -> memref<64x128xf32, #tpu.memory_space<vmem>>
    %dma_wait3A_155 = arith.constant 0 : i32
    %dma_wait3A_156 = tpu.memref_slice %arg5[%add3A_87, %dma_wait3A_155] : memref<8192x128xf32, #tpu.memory_space<hbm>> -> memref<64x128xf32, #tpu.memory_space<hbm>>
    %dma_wait3A_157 = arith.constant 0 : i32
    %dma_wait3A_158 = tpu.memref_slice %arg5[%add3A_87, %dma_wait3A_157] : memref<8192x128xf32, #tpu.memory_space<hbm>> -> memref<64x128xf32, #tpu.memory_space<hbm>>
    %dma_wait3A_159 = arith.constant 64 : i32
    %dma_wait3A_160 = arith.constant 0 : i32
    %dma_wait3A_161 = tpu.memref_slice %arg7[%dma_wait3A_159, %dma_wait3A_160] : memref<256x128xf32, #tpu.memory_space<vmem>> -> memref<64x128xf32, #tpu.memory_space<vmem>>
    tpu.wait_dma2 semaphore(%arg11 : memref<!tpu.dma_semaphore, #tpu.memory_space<semaphore_mem>>) src(%dma_wait3A_161 : memref<64x128xf32, #tpu.memory_space<vmem>>) dst(%dma_wait3A_158 : memref<64x128xf32, #tpu.memory_space<hbm>>)
    %dma_wait3A_162 = arith.constant 128 : i32
    %dma_wait3A_163 = arith.constant 0 : i32
    %dma_wait3A_164 = tpu.memref_slice %arg7[%dma_wait3A_162, %dma_wait3A_163] : memref<256x128xf32, #tpu.memory_space<vmem>> -> memref<64x128xf32, #tpu.memory_space<vmem>>
    %dma_wait3A_165 = arith.constant 0 : i32
    %dma_wait3A_166 = tpu.memref_slice %arg5[%add3A_109, %dma_wait3A_165] : memref<8192x128xf32, #tpu.memory_space<hbm>> -> memref<64x128xf32, #tpu.memory_space<hbm>>
    %dma_wait3A_167 = arith.constant 0 : i32
    %dma_wait3A_168 = tpu.memref_slice %arg5[%add3A_109, %dma_wait3A_167] : memref<8192x128xf32, #tpu.memory_space<hbm>> -> memref<64x128xf32, #tpu.memory_space<hbm>>
    %dma_wait3A_169 = arith.constant 128 : i32
    %dma_wait3A_170 = arith.constant 0 : i32
    %dma_wait3A_171 = tpu.memref_slice %arg7[%dma_wait3A_169, %dma_wait3A_170] : memref<256x128xf32, #tpu.memory_space<vmem>> -> memref<64x128xf32, #tpu.memory_space<vmem>>
    tpu.wait_dma2 semaphore(%arg11 : memref<!tpu.dma_semaphore, #tpu.memory_space<semaphore_mem>>) src(%dma_wait3A_171 : memref<64x128xf32, #tpu.memory_space<vmem>>) dst(%dma_wait3A_168 : memref<64x128xf32, #tpu.memory_space<hbm>>)
    %dma_wait3A_172 = arith.constant 192 : i32
    %dma_wait3A_173 = arith.constant 0 : i32
    %dma_wait3A_174 = tpu.memref_slice %arg7[%dma_wait3A_172, %dma_wait3A_173] : memref<256x128xf32, #tpu.memory_space<vmem>> -> memref<64x128xf32, #tpu.memory_space<vmem>>
    %dma_wait3A_175 = arith.constant 0 : i32
    %dma_wait3A_176 = tpu.memref_slice %arg5[%add3A_131, %dma_wait3A_175] : memref<8192x128xf32, #tpu.memory_space<hbm>> -> memref<64x128xf32, #tpu.memory_space<hbm>>
    %dma_wait3A_177 = arith.constant 0 : i32
    %dma_wait3A_178 = tpu.memref_slice %arg5[%add3A_131, %dma_wait3A_177] : memref<8192x128xf32, #tpu.memory_space<hbm>> -> memref<64x128xf32, #tpu.memory_space<hbm>>
    %dma_wait3A_179 = arith.constant 192 : i32
    %dma_wait3A_180 = arith.constant 0 : i32
    %dma_wait3A_181 = tpu.memref_slice %arg7[%dma_wait3A_179, %dma_wait3A_180] : memref<256x128xf32, #tpu.memory_space<vmem>> -> memref<64x128xf32, #tpu.memory_space<vmem>>
    tpu.wait_dma2 semaphore(%arg11 : memref<!tpu.dma_semaphore, #tpu.memory_space<semaphore_mem>>) src(%dma_wait3A_181 : memref<64x128xf32, #tpu.memory_space<vmem>>) dst(%dma_wait3A_178 : memref<64x128xf32, #tpu.memory_space<hbm>>)
    return
  }
}

</mosaic_0001>

<sc_bundles>
// kernel: kernel.3.cloned.1.call-start
scs
__scs_entry_jumppad:
0x0: {  	(pc) =	sbr.rel $0x88, $3  }
0x1: {  	(tag) =	ssettag $0x0;
	lr =	simm.s32 $0x1  }
0x2: {  	[smem:$0x3F9E] =	sst lr;
	_ =	strace $0xD0000000  }
0x3: {  	_ = 	snop  }
0x4: {  	_ = 	snop  }
0x5: {  	_ = 	snop  }
0x6: {  	_ = 	snop  }
0x7: {  	_ = 	snop  }
__scs_overlays_trampoline_lowered:
0x8: {  	[smem:$0x3FAD] =	sst s0  }
0x9: {  	[smem:$0x3FAE] =	sst s1  }
0xa: {  	[smem:$0x3FAF] =	sst s2  }
0xb: {  	[smem:$0x3FB0] =	sst s3  }
0xc: {  	[smem:$0x3FB1] =	sst s4  }
0xd: {  	[smem:$0x3FB2] =	sst s5  }
0xe: {  	[smem:$0x3FB3] =	sst s6  }
0xf: {  	[smem:$0x3FB4] =	sst s7  }
0x10: {  	[smem:$0x3FB5] =	sst s8  }
0x11: {  	[smem:$0x3FB6] =	sst s9;
	s0 =	simm.s32 @!p0 $0x0  }
0x12: {  	s1 =	sld [smem:$0x3F9C];
	s0 =	simm.s32 @p0 $0x1  }
0x13: {  	[smem:$0x3FB7] =	sst s0;
	s0 =	simm.s32 @!p1 $0x0  }
0x14: {  	s2 =	sld [smem:$0x3F9B];
	s0 =	simm.s32 @p1 $0x1  }
0x15: {  	[smem:$0x3FB8] =	sst s0;
	s0 =	simm.s32 @!p2 $0x0  }
0x16: {  	s3 =	sld [smem:$0x3FDB];
	s0 =	simm.s32 @p2 $0x1  }
0x17: {  	s4 =	simm.s32 $0x1BF5;
	[smem:$0x3FBA] =	sst s0  }
0x18: {  	s0 =	sld [smem:$0x3F9D];
	_ =	swait.ge [sflag:s4], $0x0  }
0x19: {  	s7 =	sld [smem:$0x3F9E]  }
0x1a: {  	s8 =	sadd.s32 $0xFFFFE003, lr  }
0x1b: {  	s9 =	sadd.s32 $0xFFFFFEF7, lr;
	s5 =	simm.s32 $0xFFFFFFFF;
	p2 =	slt.u32 s8, $0xFFFFF086  }
0x1c: {  	p1 =	slt.u32 s9, $0xF7A;
	s5 =	simm.s32 @!p2 $0x0  }
0x1d: {  	s5 =	simm.s32 @p1 $0x1;
	p0 =	seq.s32 s7, s2  }
0x1e: {  	s7 =	smul.u32 @!p0 $0xF7A, s2;
	p2 =	seq.s32 @!p0 s5, $0x0  }
0x1f: {  	s9 =	smul.u32 $0xF7A, s1;
	s8 =	simm.s32 @!p0 $0x1BF5;
	p2 =	por !p2, p0  }
0x20: {  	[sflag:s8] =	ssyncset.s32 @!p0 $0xFFFFF086;
	s6 =	sadd.s32 @!p0 s3, s7;
	s7 =	simm.s32 @!p0 $0x108  }
0x21: {  	s3 =	sadd.s32 s3, s9;
	s6 =	sadd.s32 @!p0 $0x88, s6;
	s7 =	simm.s32 @p2 $0x1082  }
0x22: {  	[simem:s7], [sflag:s8] =	dma.local @!p0 [hbm:s6], $0xF7A  }
0x23: {  	s9 =	sor.u32 $0xD0000000, s2;
	s6 =	simm.s32 $0x108;
	_ =	swait.ge @!p0 [sflag:s8], $0x0  }
0x24: {  	s3 =	sadd.s32 $0x88, s3;
	s6 =	simm.s32 @!p1 $0x1082;
	[sflag:s4] =	ssyncset.s32 $0xFFFFF086  }
0x25: {  	[simem:s6], [sflag:s4] =	dma.local [hbm:s3], $0xF7A  }
0x26: {  	[smem:$0x3F9E] =	sst s1;
	(tag) =	ssettag s2;
	_ =	strace s9  }
0x27: {  	s1 =	sld [smem:$0x3FAE]  }
0x28: {  	s2 =	sld [smem:$0x3FAF]  }
0x29: {  	s4 =	sld [smem:$0x3FB1]  }
0x2a: {  	p0 =	seq.s32 s5, $0x0;
	s5 =	sld [smem:$0x3FB2]  }
0x2b: {  	s6 =	sld [smem:$0x3FB3]  }
0x2c: {  	s7 =	sld [smem:$0x3FB4]  }
0x2d: {  	s3 =	simm.s32 $0x108;
	s8 =	sld [smem:$0x3FB5]  }
0x2e: {  	s3 =	simm.s32 @!p0 $0x1082;
	s9 =	sld [smem:$0x3FB6]  }
0x2f: {  	lr =	sadd.s32 s0, s3;
	s0 =	sld [smem:$0x3FAD]  }
0x30: {  	s3 =	sld [smem:$0x3FB0]  }
0x31: {  	[smem:$0x3FB9] =	sst s10  }
0x32: {  	s10 =	sld [smem:$0x3FB7];
	_ =	sdelay $0x3  }
0x33: {  	p0 =	seq.s32 s10, $0x1;
	s10 =	sld [smem:$0x3FB9];
	_ =	sdelay $0x3  }
0x34: {  	[smem:$0x3FB9] =	sst s10  }
0x35: {  	s10 =	sld [smem:$0x3FB8];
	_ =	sdelay $0x3  }
0x36: {  	p1 =	seq.s32 s10, $0x1;
	s10 =	sld [smem:$0x3FB9];
	_ =	sdelay $0x3  }
0x37: {  	[smem:$0x3FB9] =	sst s10  }
0x38: {  	s10 =	sld [smem:$0x3FBA]  }
0x39: {  	_ = 	snop;
	(pc) =	sbr.ind lr, $3  }
0x3a: {  	_ = 	snop  }
0x3b: {  	_ = 	snop  }
0x3c: {  	p2 =	seq.s32 s10, $0x1;
	s10 =	sld [smem:$0x3FB9]  }
0x3d: {  	_ =	shalt  }
0x3e: {  	_ =	shalt  }
0x3f: {  	_ =	shalt  }
0x40: {  	_ =	shalt  }
0x41: {  	_ =	shalt  }
0x42: {  	_ =	shalt  }
0x43: {  	_ =	shalt  }
0x44: {  	_ =	shalt  }
0x45: {  	_ =	shalt  }
0x46: {  	_ =	shalt  }
0x47: {  	_ =	shalt  }
0x48: {  	_ =	shalt  }
0x49: {  	_ =	shalt  }
0x4a: {  	_ =	shalt  }
0x4b: {  	_ =	shalt  }
0x4c: {  	_ =	shalt  }
0x4d: {  	_ =	shalt  }
0x4e: {  	_ =	shalt  }
0x4f: {  	_ =	shalt  }
0x50: {  	_ =	shalt  }
0x51: {  	_ =	shalt  }
0x52: {  	_ =	shalt  }
0x53: {  	_ =	shalt  }
0x54: {  	_ =	shalt  }
0x55: {  	_ =	shalt  }
0x56: {  	_ =	shalt  }
0x57: {  	_ =	shalt  }
0x58: {  	_ =	shalt  }
0x59: {  	_ =	shalt  }
0x5a: {  	_ =	shalt  }
0x5b: {  	_ =	shalt  }
0x5c: {  	_ =	shalt  }
0x5d: {  	_ =	shalt  }
0x5e: {  	_ =	shalt  }
0x5f: {  	_ =	shalt  }
0x60: {  	_ =	shalt  }
0x61: {  	_ =	shalt  }
0x62: {  	_ =	shalt  }
0x63: {  	_ =	shalt  }
0x64: {  	_ =	shalt  }
0x65: {  	_ =	shalt  }
0x66: {  	_ =	shalt  }
0x67: {  	_ =	shalt  }
0x68: {  	_ =	shalt  }
0x69: {  	_ =	shalt  }
0x6a: {  	_ =	shalt  }
0x6b: {  	_ =	shalt  }
0x6c: {  	_ =	shalt  }
0x6d: {  	_ =	shalt  }
0x6e: {  	_ =	shalt  }
0x6f: {  	_ =	shalt  }
0x70: {  	_ =	shalt  }
0x71: {  	_ =	shalt  }
0x72: {  	_ =	shalt  }
0x73: {  	_ =	shalt  }
0x74: {  	_ =	shalt  }
0x75: {  	_ =	shalt  }
0x76: {  	_ =	shalt  }
0x77: {  	_ =	shalt  }
0x78: {  	_ =	shalt  }
0x79: {  	_ =	shalt  }
0x7a: {  	_ =	shalt  }
0x7b: {  	_ =	shalt  }
0x7c: {  	_ =	shalt  }
0x7d: {  	_ =	shalt  }
0x7e: {  	_ =	shalt  }
0x7f: {  	_ =	shalt  }
0x80: {  	_ =	shalt  }
0x81: {  	_ =	shalt  }
0x82: {  	_ =	shalt  }
0x83: {  	_ =	shalt  }
0x84: {  	_ =	shalt  }
0x85: {  	_ =	shalt  }
0x86: {  	_ =	shalt  }
0x87: {  	_ =	shalt  }
.Lfunc_end0:
.L_simem_size_0:
called_computation_lowered:
.L_overlay_start_0:
0x88: {  	s2 =	sld [smem:$0x3FD9]  }
0x89: {  	s3 =	sld [smem:$0x3FFE];
	_ =	sdelay $0x1  }
0x8a: {  	s1 =	srdreg.scid  }
0x8b: {  	s0 =	sand.u32 $0x1, s1  }
0x8c: {  	s17 =	sshll.u32 s0, $0xA;
	s2 =	sadd.s32 s3, s2  }
0x8d: {  	s2 =	sadd.s32 s2, s17  }
0x8e: {  	[smem:$0x3FC5] =	sst s2  }
0x8f: {  	_ = 	snop  }
0x90: {  	s2 =	sld [smem:$0x3FC8]  }
0x91: {  	s18 =	sld [smem:$0x3FC7]  }
0x92: {  	s4 =	sld [smem:$0x3FD0];
	(tm) =	ssettm $0x1  }
0x93: {  	s5 =	sld [smem:$0x3FFB];
	_ =	sdelay $0x3  }
0x94: {  	_ =	strace s5  }
0x95: {  	s5 =	sld [smem:$0x3FFC];
	_ =	sdelay $0x3  }
0x96: {  	_ =	strace s5  }
0x97: {  	s5 =	sld [smem:$0x3FFD];
	_ =	sdelay $0x3  }
0x98: {  	_ =	strace s5  }
0x99: {  	_ =	strace $0x8FFFFFFF  }
0x9a: {  	s19 =	sld [smem:$0x3FDB];
	_ =	sdelay $0x1  }
0x9b: {  	s6 =	simm.s32 $_scs_section_size  }
0x9c: {  	s7 =	simm.s32 $_size__tile_overlayer_lowered;
	s8 =	simm.s32 $_tile_overlayer_lowered  }
0x9d: {  	s22 =	simm.s32 $0x1BFF;
	s21 =	sshll.u32 s8, $0x1;
	s5 =	sadd.s32 s6, s19  }
0x9e: {  	s9 =	simm.s32 $0x0;
	s20 =	sshll.u32 s7, $0x1;
	s7 =	sadd.s32 s21, s5  }
0x9f: {  	[timem:s9], [sflag:s22] =	dma.local [hbm:s7], s20  }
0xa0: {  	_ =	swait.ge [sflag:s22], s20  }
0xa1: {  	s6 =	ssub.s32 $0x0, s20;
	[sflag:s22] =	ssyncset.done $0x0  }
0xa2: {  	[sflag:s22] =	ssyncadd.s32 s6;
	_ =	sdelay $0x1  }
0xa3: {  	s23 =	simm.s32 $0x1B8B  }
0xa4: {  	_ =	swait.ge [sflag:s23], $0x1  }
0xa5: {  	[sflag:s23] =	ssyncset.done $0x0  }
0xa6: {  	s25 =	simm.s32 $0x1B8E;
	s24 =	sld [smem:$0x3FFE];
	[sflag:s23] =	ssyncadd.s32 $0xFFFFFFFF  }
0xa7: {  	s26 =	simm.s32 $execute0_lowered;
	[smem:$0x3FD2] =	sst s25  }
0xa8: {  	s7 =	sshll.u32 s26, $0x1;
	_ =	strace $0x80000046;
	[dreg:$0x1] =	wrdreg $0xFFFFFFFF  }
0xa9: {  	s28 =	simm.s32 $_size_execute0_lowered;
	s5 =	sadd.s32 s5, s7;
	[dreg:$0x0] =	wrdreg $0x0  }
0xaa: {  	s7 =	sshll.u32 s28, $0x1;
	[dreg:$0x2] =	wrdreg s5  }
0xab: {  	[dreg:$0x3] =	wrdreg s7  }
0xac: {  	[dreg:$0x4] =	wrdreg $0xC0  }
0xad: {  	_ =	task [dreg:s9], $0x5FFFF  }
0xae: {  	[dreg:$0x1] =	wrdreg $0xFFFFFFFF  }
0xaf: {  	[dreg:$0x0] =	wrdreg $0x60  }
0xb0: {  	[dreg:$0x2] =	wrdreg s24  }
0xb1: {  	[dreg:$0x3] =	wrdreg s2  }
0xb2: {  	[dreg:$0x4] =	wrdreg s18  }
0xb3: {  	[dreg:$0x5] =	wrdreg s4  }
0xb4: {  	[dreg:$0x6] =	wrdreg $0x9  }
0xb5: {  	_ =	task.clear_ibuf [dreg:s9], $0x7FFFF;
	_ =	strace $0x90000046  }
0xb6: {  	s29 =	simm.s32 $0x9;
	_ =	strace $0x80000048  }
0xb7: {  	_ =	swait.ge [sflag:s29], $0x1  }
0xb8: {  	[sflag:s29] =	ssyncadd.s32 $0xFFFFFFFF  }
0xb9: {  	_ =	strace $0x90000048  }
0xba: {  	_ =	sfence  }
0xbb: {  	s30 =	sld [smem:$0x0];
	_ =	sdelay $0x2  }
0xbc: {  	s31 =	sshll.u32 s1, $0xD;
	s1 =	sshrl.u32 s1, $0x2  }
0xbd: {  	s3 =	sand.u32 $0x4000, s31;
	s1 =	sadd.s32 s1, s30  }
0xbe: {  	s0 =	sor.u32 s3, s0;
	s1 =	sshll.u32 s1, $0x11  }
0xbf: {  	s0 =	sor.u32 s1, s0  }
0xc0: {  	s0 =	sadd.s32 $0x8F2B, s0  }
0xc1: {  	[sflag:s0] =	ssyncadd.remote.s32 $0x1  }
0xc2: {  	_ =	sfence.sel $0xFFFF  }
0xc3: {  	[dreg:$0x0] =	wrdreg $0xFFFFFFFF;
	(pc) =	sbr.abs _section_cstart, $3  }
0xc4: {  	[dreg:$0x1] =	wrdreg $0xFFFFFFFF  }
0xc5: {  	_ =	task.clear_ibuf [dreg:s9], $0x2FFFF;
	_ =	strace $0x9FFFFFFF  }
0xc6: {  	(tm) =	ssettm $0x7FFFFFFF  }
0xc7: {  	_ =	shalt  }
tec
execute0_lowered:
.L_overlay_start_1:
0x0: {  	(tag) =	ssettag $0x1  }
0x1: {  	s4 =	rddreg [dreg:$0x0]  }
0x2: {  	s1 =	rddreg [dreg:$0x1]  }
0x3: {  	s5 =	rddreg [dreg:$0x2]  }
0x4: {  	s18 =	rddreg [dreg:$0x3]  }
0x5: {  	s0 =	rddreg [dreg:$0x4];
	s2 =	srdreg.scid  }
0x6: {  	s3 =	simm.s32 $0x0;
	s23 =	sand.u32 $0x1, s2;
	s2 =	stileid.u32  }
0x7: {  	[smem:$0x7FF] =	sst s3;
	s6 =	sshll.u32 s2, $0xD;
	s7 =	sshll.u32 s23, $0xC  }
0x8: {  	_ =	strace $0x80000047;
	s8 =	sshll.u32 s23, $0x6;
	s19 =	sor.u32 s7, s6  }
0x9: {  	s31 =	sshll.u32 s2, $0x7;
	s29 =	sadd.s32 s8, s4;
	s30 =	sand.u32 $0x7000, s19  }
0xa: {  	s6 =	sadd.s32 s31, s29;
	s4 =	sadd.s32 s5, s30;
	s5 =	simm.s32 $0x8200  }
0xb: {  	[tilespmem:s5], [sflag:$0x2] =	stream.linear.gather [hbm4b:s4+s3], $0x8000, $0x38;
	[tilespmem:$0x10200] =	vst v63  }
0xc: {  	s7 =	simm.s32 $0x4;
	s6 =	sadd.s32 $0x400, s6  }
0xd: {  	[tilespmem:s3], [sflag:$0x4] =	stream.linear.gather [hbm4b:s6+s3], $0x200, $0x38;
	[tilespmem:$0x10200] =	vst v63  }
0xe: {  	_ =	swait.ge [sflag:s7], $0x200  }
0xf: {  	[sflag:s7] =	ssyncset.done $0x0  }
0x10: {  	s9 =	simm.s32 $0x200;
	s8 =	simm.s32 $0x40;
	[sflag:s7] =	ssyncadd.s32 $0xFFFFFE00  }
0x11: {  	[tilespmem:s9], [sflag:$0x1] =	stream.indirect.gather [hbm4b:s1+s8], $0x80, s3, s8, $0xb8;
	[tilespmem:$0x10200] =	vst v63  }
0x12: {  	s10 =	simm.s32 $0x80;
	s11 =	simm.s32 $0x2200  }
0x13: {  	[tilespmem:s11], [sflag:$0x1] =	stream.indirect.gather [hbm4b:s1+s8], $0x80, s10, s8, $0xb8;
	[tilespmem:$0x10200] =	vst v63  }
0x14: {  	s12 =	simm.s32 $0x100;
	s13 =	simm.s32 $0x4200  }
0x15: {  	[tilespmem:s13], [sflag:$0x1] =	stream.indirect.gather [hbm4b:s1+s8], $0x80, s12, s8, $0xb8;
	[tilespmem:$0x10200] =	vst v63  }
0x16: {  	s14 =	simm.s32 $0x180;
	s15 =	simm.s32 $0x6200;
	s16 =	simm.s32 $0x2  }
0x17: {  	[tilespmem:s15], [sflag:$0x1] =	stream.indirect.gather [hbm4b:s1+s8], $0x80, s14, s8, $0xb8;
	[tilespmem:$0x10200] =	vst v63  }
0x18: {  	_ =	swait.ge [sflag:s16], $0x8000  }
0x19: {  	[sflag:s16] =	ssyncset.done $0x0  }
0x1a: {  	s17 =	simm.s32 $0x1;
	[sflag:s16] =	ssyncadd.s32 $0xFFFF8000  }
0x1b: {  	_ =	swait.ge [sflag:s17], $0x2000  }
0x1c: {  	[sflag:s17] =	ssyncset.done $0x0  }
0x1d: {  	s18 =	sadd.s32 s18, s19;
	[sflag:s17] =	ssyncadd.s32 $0xFFFFE000  }
0x1e: {  	[hbm4b:s18+s3] =	stream.linear.scatter [tilespmem:s9], [sflag:$0x3], $0x2000, $0x38;
	[tilespmem:$0x10200] =	vst v63  }
0x1f: {  	_ =	swait.ge [sflag:s17], $0x2000  }
0x20: {  	[sflag:s17] =	ssyncset.done $0x0  }
0x21: {  	s19 =	sadd.s32 $0x400, s18;
	[sflag:s17] =	ssyncadd.s32 $0xFFFFE000  }
0x22: {  	[hbm4b:s19+s3] =	stream.linear.scatter [tilespmem:s11], [sflag:$0x3], $0x2000, $0x38;
	[tilespmem:$0x10200] =	vst v63  }
0x23: {  	_ =	swait.ge [sflag:s17], $0x2000  }
0x24: {  	[sflag:s17] =	ssyncset.done $0x0  }
0x25: {  	s20 =	sadd.s32 $0x800, s18;
	[sflag:s17] =	ssyncadd.s32 $0xFFFFE000  }
0x26: {  	[hbm4b:s20+s3] =	stream.linear.scatter [tilespmem:s13], [sflag:$0x3], $0x2000, $0x38;
	[tilespmem:$0x10200] =	vst v63  }
0x27: {  	_ =	swait.ge [sflag:s17], $0x2000  }
0x28: {  	[sflag:s17] =	ssyncset.done $0x0  }
0x29: {  	s21 =	simm.s32 $0x3;
	s22 =	sadd.s32 $0xC00, s18;
	[sflag:s17] =	ssyncadd.s32 $0xFFFFE000  }
0x2a: {  	[hbm4b:s22+s3] =	stream.linear.scatter [tilespmem:s15], [sflag:$0x3], $0x2000, $0x38;
	[tilespmem:$0x10200] =	vst v63  }
0x2b: {  	_ =	swait.ge [sflag:s21], $0x2000  }
0x2c: {  	s23 =	ssub.s32 $0x2, s23;
	[sflag:s21] =	ssyncset.done $0x0  }
0x2d: {  	s24 =	sshrl.u32 s23, $0x1;
	[sflag:s21] =	ssyncadd.s32 $0xFFFFE000  }
0x2e: {  	s23 =	ssub.s32 s23, s24;
	_ =	swait.ge [sflag:s21], $0x2000  }
0x2f: {  	s23 =	smax.u32 s23, $0x1;
	[sflag:s21] =	ssyncset.done $0x0  }
0x30: {  	p0 =	sne.s32 s23, $0x1;
	[sflag:s21] =	ssyncadd.s32 $0xFFFFE000  }
.Ltmp0:
0x31: {  	_ =	swait.ge [sflag:s21], $0x2000;
	(pc) =	sbr.rel @!p0 .LBB2_2-.Ltmp0, $4  }
0x32: {  	[sflag:s21] =	ssyncset.done $0x0  }
0x33: {  	[sflag:s21] =	ssyncadd.s32 $0xFFFFE000  }
0x34: {  	_ =	swait.ge [sflag:s21], $0x2000  }
0x35: {  	s23 =	sadd.s32 $0xFFFFFFFF, s23;
	[sflag:s21] =	ssyncset.done $0x0  }
.LBB2_1:
0x36: {  	p0 =	sne.s32 s23, $0x1;
	s23 =	sadd.s32 $0xFFFFFFFF, s23;
	[sflag:s21] =	ssyncadd.s32 $0xFFFFE000  }
0x37: {  	[tilespmem:s5], [sflag:$0x2] =	stream.linear.gather [hbm4b:s4+s3], $0x8000, $0x38;
	[tilespmem:$0x10200] =	vst v63  }
0x38: {  	_ = 	snop  }
0x39: {  	[tilespmem:s3], [sflag:$0x4] =	stream.linear.gather [hbm4b:s6+s3], $0x200, $0x38;
	[tilespmem:$0x10200] =	vst v63  }
0x3a: {  	_ =	swait.ge [sflag:s7], $0x200  }
0x3b: {  	[sflag:s7] =	ssyncset.done $0x0  }
0x3c: {  	[sflag:s7] =	ssyncadd.s32 $0xFFFFFE00  }
0x3d: {  	[tilespmem:s9], [sflag:$0x1] =	stream.indirect.gather [hbm4b:s1+s8], $0x80, s3, s8, $0xb8;
	[tilespmem:$0x10200] =	vst v63  }
0x3e: {  	_ = 	snop  }
0x3f: {  	[tilespmem:s11], [sflag:$0x1] =	stream.indirect.gather [hbm4b:s1+s8], $0x80, s10, s8, $0xb8;
	[tilespmem:$0x10200] =	vst v63  }
0x40: {  	_ = 	snop  }
0x41: {  	[tilespmem:s13], [sflag:$0x1] =	stream.indirect.gather [hbm4b:s1+s8], $0x80, s12, s8, $0xb8;
	[tilespmem:$0x10200] =	vst v63  }
0x42: {  	_ = 	snop  }
0x43: {  	[tilespmem:s15], [sflag:$0x1] =	stream.indirect.gather [hbm4b:s1+s8], $0x80, s14, s8, $0xb8;
	[tilespmem:$0x10200] =	vst v63  }
0x44: {  	_ =	swait.ge [sflag:s16], $0x8000  }
0x45: {  	[sflag:s16] =	ssyncset.done $0x0  }
0x46: {  	[sflag:s16] =	ssyncadd.s32 $0xFFFF8000  }
0x47: {  	_ =	swait.ge [sflag:s17], $0x2000  }
0x48: {  	[sflag:s17] =	ssyncset.done $0x0  }
0x49: {  	[sflag:s17] =	ssyncadd.s32 $0xFFFFE000  }
0x4a: {  	[hbm4b:s18+s3] =	stream.linear.scatter [tilespmem:s9], [sflag:$0x3], $0x2000, $0x38;
	[tilespmem:$0x10200] =	vst v63  }
0x4b: {  	_ =	swait.ge [sflag:s17], $0x2000  }
0x4c: {  	[sflag:s17] =	ssyncset.done $0x0  }
0x4d: {  	[sflag:s17] =	ssyncadd.s32 $0xFFFFE000  }
0x4e: {  	[hbm4b:s19+s3] =	stream.linear.scatter [tilespmem:s11], [sflag:$0x3], $0x2000, $0x38;
	[tilespmem:$0x10200] =	vst v63  }
0x4f: {  	_ =	swait.ge [sflag:s17], $0x2000  }
0x50: {  	[sflag:s17] =	ssyncset.done $0x0  }
0x51: {  	[sflag:s17] =	ssyncadd.s32 $0xFFFFE000  }
0x52: {  	[hbm4b:s20+s3] =	stream.linear.scatter [tilespmem:s13], [sflag:$0x3], $0x2000, $0x38;
	[tilespmem:$0x10200] =	vst v63  }
0x53: {  	_ =	swait.ge [sflag:s17], $0x2000  }
0x54: {  	[sflag:s17] =	ssyncset.done $0x0  }
0x55: {  	[sflag:s17] =	ssyncadd.s32 $0xFFFFE000  }
0x56: {  	[hbm4b:s22+s3] =	stream.linear.scatter [tilespmem:s15], [sflag:$0x3], $0x2000, $0x38;
	[tilespmem:$0x10200] =	vst v63  }
0x57: {  	_ =	swait.ge [sflag:s21], $0x2000  }
0x58: {  	[sflag:s21] =	ssyncset.done $0x0  }
0x59: {  	[sflag:s21] =	ssyncadd.s32 $0xFFFFE000  }
0x5a: {  	_ =	swait.ge [sflag:s21], $0x2000  }
0x5b: {  	[sflag:s21] =	ssyncset.done $0x0  }
0x5c: {  	[sflag:s21] =	ssyncadd.s32 $0xFFFFE000  }
.Ltmp1:
0x5d: {  	_ =	swait.ge [sflag:s21], $0x2000;
	(pc) =	sbr.rel @p0 .LBB2_1-.Ltmp1, $4  }
0x5e: {  	[sflag:s21] =	ssyncset.done $0x0  }
0x5f: {  	[sflag:s21] =	ssyncadd.s32 $0xFFFFE000  }
0x60: {  	_ =	swait.ge [sflag:s21], $0x2000  }
0x61: {  	[sflag:s21] =	ssyncset.done $0x0  }
.LBB2_2:
0x62: {  	[sflag:s21] =	ssyncadd.s32 $0xFFFFE000  }
0x63: {  	_ =	sfence.sel $0x180000  }
0x64: {  	[bflag:$0x0] =	sbarrier.arrive $0xFFFF  }
0x65: {  	p0 =	sne.s32 s2, $0x0;
	_ =	strace $0x90000047  }
0x66: {  	s0 =	sadd.s32 @!p0 $0x100000, s0;
	[bflag:$0x2] =	sbarrier.arrive $0xFFFF  }
0x67: {  	[sflag:s0] =	ssyncadd.tile.s32 @!p0 $0x1;
	_ =	shalt  }
.Lfunc_end2:
_tile_overlayer_lowered:
.L_overlay_start_2:
0x68: {  	(tag) =	ssettag $0x2  }
0x69: {  	s0 =	rddreg [dreg:$0x0];
	s2 =	stileid.u32  }
0x6a: {  	s1 =	rddreg [dreg:$0x1];
	p0 =	sne.s32 s2, $0x0  }
0x6b: {  	s3 =	rddreg [dreg:$0x2];
	[bflag:$0x3] =	sbarrier.arrive $0xFFFF;
	s2 =	simm.s32 @!p0 $0x1C04  }
0x6c: {  	[timem:s3], [sflag:s2] =	dma.local @!p0 [hbm:s0], s1  }
0x6d: {  	s0 =	simm.s32 @!p0 $0x4  }
0x6e: {  	_ =	swait.ge @!p0 [sflag:s0], s1  }
0x6f: {  	s1 =	ssub.s32 @!p0 $0x0, s1;
	[sflag:s0] =	ssyncset.done @!p0 $0x0  }
0x70: {  	[sflag:s0] =	ssyncadd.s32 @!p0 s1  }
0x71: {  	[bflag:$0x3] =	sbarrier.arrive $0xFFFF  }
0x72: {  	_ =	shalt  }

</sc_bundles>
